<compile_context>
chip_gen: v7x
topology: tpu7x:2x2x1
jax: 0.10.2.dev20260603
libtpu: 0.0.44.dev20260713+nightly
codegen_flags: <defaults>
</compile_context>

<pallas_src>
import jax
import jax.numpy as jnp
from jax import lax
from jax.experimental import pallas as pl
from jax.experimental.pallas import tpu as pltpu
from jax.experimental.pallas import tpu_sc as plsc

B = 1024
V = 100000
C = 16
MAXV = 4
CROP = 2048
LANES = 128

_NC = 2
_NS = 16
_NW = _NC * _NS
_RPW = B // _NW
_TPW = _RPW * CROP // LANES


def _sc_gather_body(crop_hbm, m2c_hbm, cls_hbm, m2c_v, buf_v, cls_v):
    wid = lax.axis_index("s") * _NC + lax.axis_index("c")
    base = wid * _RPW

    pltpu.sync_copy(crop_hbm.at[pl.ds(base, _RPW)], buf_v)
    pltpu.sync_copy(m2c_hbm, m2c_v)

    cols = []
    masks = []
    for j in range(MAXV):
        raw = m2c_v[j, pl.ds(0, C)]
        cols.append(jnp.clip(raw, 0, CROP - 1))
        masks.append(jnp.where(raw > 0, jnp.float32(1.0), jnp.float32(0.0)))

    def _row(r, carry):
        rvec = jnp.broadcast_to(r, (C,)).astype(jnp.int32)
        acc = None
        for j in range(MAXV):
            v = plsc.load_gather(buf_v, [rvec, cols[j]]) * masks[j]
            acc = v if acc is None else acc + v
        cls_v[r, pl.ds(0, C)] = acc
        return carry

    lax.fori_loop(0, _RPW, _row, 0)

    pltpu.sync_copy(cls_v, cls_hbm.at[pl.ds(base, _RPW)])


_sc_gather = pl.kernel(
    _sc_gather_body,
    mesh=plsc.VectorSubcoreMesh(core_axis_name="c", subcore_axis_name="s"),
    out_type=jax.ShapeDtypeStruct((B, LANES), jnp.float32),
    scratch_types=[
        pltpu.VMEM((8, LANES), jnp.int32),
        pltpu.VMEM((_RPW, CROP), jnp.float32),
        pltpu.VMEM((_RPW, LANES), jnp.float32),
    ],
    compiler_params=pltpu.CompilerParams(needs_layout_passes=False),
)


def _tc_loss_body(cls_ref, mlm_ref, lab_ref, fil_ref, pred_ref, loss_ref):
    lane = lax.broadcasted_iota(jnp.int32, (B, LANES), 1)
    valid = lane < C
    mask = (mlm_ref[...] >= 0).astype(jnp.float32)
    cls = cls_ref[...] * mask / fil_ref[...]
    cls = jnp.where(valid, cls, -jnp.inf)
    mx = jnp.max(cls, axis=1, keepdims=True)
    pred_ref[...] = jnp.min(
        jnp.where(cls == mx, lane, jnp.int32(2**30)), axis=1, keepdims=True
    )
    shifted = cls - mx
    expv = jnp.where(valid, jnp.exp(shifted), jnp.float32(0.0))
    logp = shifted - jnp.log(jnp.sum(expv, axis=1, keepdims=True))
    sel = jnp.where(lane == lab_ref[...], logp, jnp.float32(0.0))
    tot = jnp.sum(jnp.sum(sel, axis=1, keepdims=True), axis=0, keepdims=True)
    loss_ref[...] = -tot / jnp.float32(B)


_tc_loss = pl.pallas_call(
    _tc_loss_body,
    out_shape=(
        jax.ShapeDtypeStruct((B, 1), jnp.int32),
        jax.ShapeDtypeStruct((1, 1), jnp.float32),
    ),
)


def kernel(logits, mlm_labels, labels, m2c, filler_len):
    crop = logits[:, 0, :CROP]
    m2c_pad = lax.pad(m2c.T.astype(jnp.int32), jnp.int32(0),
                      ((0, 8 - MAXV, 0), (0, LANES - C, 0)))
    cls_sum = _sc_gather(crop, m2c_pad)
    fil_pad = lax.pad(filler_len.reshape(1, C), jnp.float32(1.0),
                      ((0, 0, 0), (0, LANES - C, 0)))
    pred2d, loss11 = _tc_loss(
        cls_sum, mlm_labels, labels.reshape(B, 1), fil_pad
    )
    return loss11[0, 0], pred2d.reshape(B)

# --- scband reference (transcript-rebuilt; emitter-appended) ---
"""Pipeline reference for scband-pet-criterion-51204600103335 (READ-ONLY COPY).

The authoritative reference and input builder live on the scoring server;
editing this copy changes nothing except your own understanding.
"""

import jax, jax.numpy as jnp
import numpy as np

B = 1024
V = 100000
NUM_LABELS = 16
MAXV = 4


def _build_m2c():
    rows = []
    for i in range(NUM_LABELS):
        base = 100 * (i + 1)
        if i < 12:
            rows.append([base, base + 1, -1, -1])
        else:
            rows.append([base, base + 1, base + 2, base + 3])
    return jnp.array(rows, dtype=jnp.int32)


def setup_inputs(seed: int = 0) -> dict:
    key = jax.random.key(seed)
    k1, k2 = jax.random.split(key)
    logits = jax.random.normal(k1, (B, 1, V), dtype=jnp.float32)
    mlm_labels = jnp.ones((B, 1), dtype=jnp.int32)
    labels = jax.random.randint(k2, (B,), 0, NUM_LABELS)
    m2c = _build_m2c()
    filler_len = jnp.array([2.0] * 12 + [4.0] * 4, dtype=jnp.float32)
    return {"logits": logits, "mlm_labels": mlm_labels, "labels": labels, "m2c": m2c, "filler_len": filler_len}


def reference(logits, mlm_labels, labels, m2c, filler_len):
    # select masked positions (exactly one per example here) -> [B, V]
    mask = (mlm_labels >= 0).astype(logits.dtype)
    masked_logits = (logits * mask[:, :, None]).sum(axis=1)
    # gather verbalizer token logits: idx [C, MAXV] with -1 clamped to 0
    idx = jnp.maximum(jnp.zeros_like(m2c), m2c)
    cls_logits = masked_logits[:, idx]  # [B, C, MAXV]
    cls_logits = cls_logits * (m2c > 0).astype(jnp.float32)[None, :, :]
    cls_logits = cls_logits.sum(axis=-1) / filler_len[None, :]  # [B, C]
    predictions = jnp.argmax(cls_logits, axis=1)
    logp = jax.nn.log_softmax(cls_logits, axis=-1)
    loss = -jnp.mean(jnp.take_along_axis(logp, labels[:, None], axis=1))
    return (loss, predictions)

if __name__ == "__main__":
    import jax
    _d = setup_inputs()
    print(jax.jit(kernel)(*tuple(_d.values())))

</pallas_src>

<mosaic_0001>
#map = affine_map<(d0, d1) -> (0, 0)>
module attributes {stable_mosaic.version = 14 : i64} {
  func.func @_sc_gather_body(%arg0: i32, %arg1: i32, %arg2: memref<1024x2048xf32, #tpu.memory_space<hbm>>, %arg3: memref<8x128xi32, #tpu.memory_space<hbm>>, %arg4: memref<1024x128xf32, #tpu.memory_space<hbm>>, %arg5: memref<8x128xi32, #tpu.memory_space<vmem>>, %arg6: memref<32x2048xf32, #tpu.memory_space<vmem>>, %arg7: memref<32x128xf32, #tpu.memory_space<vmem>>) attributes {dimension_semantics = [#tpu.dimension_semantics<core_parallel>, #tpu.dimension_semantics<subcore_parallel>], iteration_bounds = array<i64: 2, 16>, scalar_prefetch = 0 : i64, scratch_operands = 3 : i64, tpu.core_type = #tpu.core_type<sc_vector_subcore>, window_params = [{transform_indices = #map}, {transform_indices = #map}, {transform_indices = #map}]} {
    %mul3A = arith.constant 2 : i32
    %mul3A_0 = arith.muli %arg1, %mul3A : i32
    %add3A = arith.addi %mul3A_0, %arg0 : i32
    %mul3A_1 = arith.constant 32 : i32
    %mul3A_2 = arith.muli %add3A, %mul3A_1 : i32
    "tpu.region"() ({
      %run_scoped3A = tpu.sem_alloc : memref<!tpu.dma_semaphore, #tpu.memory_space<semaphore_mem>>
      %dma_start3A = arith.constant 0 : i32
      %dma_start3A_73 = tpu.memref_slice %arg2[%mul3A_2, %dma_start3A] : memref<1024x2048xf32, #tpu.memory_space<hbm>> -> memref<32x2048xf32, #tpu.memory_space<hbm>>
      %dma_start3A_74 = arith.constant 0 : i32
      %dma_start3A_75 = tpu.memref_slice %arg2[%mul3A_2, %dma_start3A_74] : memref<1024x2048xf32, #tpu.memory_space<hbm>> -> memref<32x2048xf32, #tpu.memory_space<hbm>>
      tpu.enqueue_dma source(%dma_start3A_75 : memref<32x2048xf32, #tpu.memory_space<hbm>>) target(%arg6 : memref<32x2048xf32, #tpu.memory_space<vmem>>) target_semaphore(%run_scoped3A : memref<!tpu.dma_semaphore, #tpu.memory_space<semaphore_mem>>)
      %dma_wait3A = arith.constant 0 : i32
      %dma_wait3A_76 = tpu.memref_slice %arg2[%mul3A_2, %dma_wait3A] : memref<1024x2048xf32, #tpu.memory_space<hbm>> -> memref<32x2048xf32, #tpu.memory_space<hbm>>
      %dma_wait3A_77 = arith.constant 0 : i32
      %dma_wait3A_78 = tpu.memref_slice %arg2[%mul3A_2, %dma_wait3A_77] : memref<1024x2048xf32, #tpu.memory_space<hbm>> -> memref<32x2048xf32, #tpu.memory_space<hbm>>
      tpu.wait_dma2 semaphore(%run_scoped3A : memref<!tpu.dma_semaphore, #tpu.memory_space<semaphore_mem>>) src(%dma_wait3A_78 : memref<32x2048xf32, #tpu.memory_space<hbm>>) dst(%arg6 : memref<32x2048xf32, #tpu.memory_space<vmem>>)
      tpu.yield
    }) : () -> ()
    "tpu.region"() ({
      %run_scoped3A = tpu.sem_alloc : memref<!tpu.dma_semaphore, #tpu.memory_space<semaphore_mem>>
      tpu.enqueue_dma source(%arg3 : memref<8x128xi32, #tpu.memory_space<hbm>>) target(%arg5 : memref<8x128xi32, #tpu.memory_space<vmem>>) target_semaphore(%run_scoped3A : memref<!tpu.dma_semaphore, #tpu.memory_space<semaphore_mem>>)
      tpu.wait_dma2 semaphore(%run_scoped3A : memref<!tpu.dma_semaphore, #tpu.memory_space<semaphore_mem>>) src(%arg3 : memref<8x128xi32, #tpu.memory_space<hbm>>) dst(%arg5 : memref<8x128xi32, #tpu.memory_space<vmem>>)
      tpu.yield
    }) : () -> ()
    %get3A = arith.constant 0 : i32
    %get3A_3 = arith.index_cast %get3A : i32 to index
    %get3A_4 = arith.constant 0 : index
    %get3A_5 = tpu.vector_load %arg5[%get3A_3, %get3A_4] {strides = array<i32>} : memref<8x128xi32, #tpu.memory_space<vmem>>, vector<16xi32>,
    %jit3A = arith.constant 0 : i32
    %jit3A_6 = arith.constant 2047 : i32
    %max3A = vector.broadcast %jit3A : i32 to vector<16xi32>
    %max3A_7 = arith.maxsi %max3A, %get3A_5 : vector<16xi32>
    %min3A = vector.broadcast %jit3A_6 : i32 to vector<16xi32>
    %min3A_8 = arith.minsi %min3A, %max3A_7 : vector<16xi32>
    %gt3A = arith.constant 0 : i32
    %gt3A_9 = vector.broadcast %gt3A : i32 to vector<16xi32>
    %gt3A_10 = arith.cmpi sgt, %get3A_5, %gt3A_9 : vector<16xi32>
    %jit3A_11 = arith.constant 1.000000e+00 : f32
    %jit3A_12 = arith.constant 0.000000e+00 : f32
    %broadcast_in_dim3A = vector.broadcast %jit3A_11 : f32 to vector<16xf32>
    %broadcast_in_dim3A_13 = vector.broadcast %jit3A_12 : f32 to vector<16xf32>
    %select_n3A = arith.select %gt3A_10, %broadcast_in_dim3A, %broadcast_in_dim3A_13 : vector<16xi1>, vector<16xf32>
    %get3A_14 = arith.constant 1 : i32
    %get3A_15 = arith.index_cast %get3A_14 : i32 to index
    %get3A_16 = arith.constant 0 : index
    %get3A_17 = tpu.vector_load %arg5[%get3A_15, %get3A_16] {strides = array<i32>} : memref<8x128xi32, #tpu.memory_space<vmem>>, vector<16xi32>,
    %jit3A_18 = arith.constant 0 : i32
    %jit3A_19 = arith.constant 2047 : i32
    %max3A_20 = vector.broadcast %jit3A_18 : i32 to vector<16xi32>
    %max3A_21 = arith.maxsi %max3A_20, %get3A_17 : vector<16xi32>
    %min3A_22 = vector.broadcast %jit3A_19 : i32 to vector<16xi32>
    %min3A_23 = arith.minsi %min3A_22, %max3A_21 : vector<16xi32>
    %gt3A_24 = arith.constant 0 : i32
    %gt3A_25 = vector.broadcast %gt3A_24 : i32 to vector<16xi32>
    %gt3A_26 = arith.cmpi sgt, %get3A_17, %gt3A_25 : vector<16xi32>
    %jit3A_27 = arith.constant 1.000000e+00 : f32
    %jit3A_28 = arith.constant 0.000000e+00 : f32
    %broadcast_in_dim3A_29 = vector.broadcast %jit3A_27 : f32 to vector<16xf32>
    %broadcast_in_dim3A_30 = vector.broadcast %jit3A_28 : f32 to vector<16xf32>
    %select_n3A_31 = arith.select %gt3A_26, %broadcast_in_dim3A_29, %broadcast_in_dim3A_30 : vector<16xi1>, vector<16xf32>
    %get3A_32 = arith.constant 2 : i32
    %get3A_33 = arith.index_cast %get3A_32 : i32 to index
    %get3A_34 = arith.constant 0 : index
    %get3A_35 = tpu.vector_load %arg5[%get3A_33, %get3A_34] {strides = array<i32>} : memref<8x128xi32, #tpu.memory_space<vmem>>, vector<16xi32>,
    %jit3A_36 = arith.constant 0 : i32
    %jit3A_37 = arith.constant 2047 : i32
    %max3A_38 = vector.broadcast %jit3A_36 : i32 to vector<16xi32>
    %max3A_39 = arith.maxsi %max3A_38, %get3A_35 : vector<16xi32>
    %min3A_40 = vector.broadcast %jit3A_37 : i32 to vector<16xi32>
    %min3A_41 = arith.minsi %min3A_40, %max3A_39 : vector<16xi32>
    %gt3A_42 = arith.constant 0 : i32
    %gt3A_43 = vector.broadcast %gt3A_42 : i32 to vector<16xi32>
    %gt3A_44 = arith.cmpi sgt, %get3A_35, %gt3A_43 : vector<16xi32>
    %jit3A_45 = arith.constant 1.000000e+00 : f32
    %jit3A_46 = arith.constant 0.000000e+00 : f32
    %broadcast_in_dim3A_47 = vector.broadcast %jit3A_45 : f32 to vector<16xf32>
    %broadcast_in_dim3A_48 = vector.broadcast %jit3A_46 : f32 to vector<16xf32>
    %select_n3A_49 = arith.select %gt3A_44, %broadcast_in_dim3A_47, %broadcast_in_dim3A_48 : vector<16xi1>, vector<16xf32>
    %get3A_50 = arith.constant 3 : i32
    %get3A_51 = arith.index_cast %get3A_50 : i32 to index
    %get3A_52 = arith.constant 0 : index
    %get3A_53 = tpu.vector_load %arg5[%get3A_51, %get3A_52] {strides = array<i32>} : memref<8x128xi32, #tpu.memory_space<vmem>>, vector<16xi32>,
    %jit3A_54 = arith.constant 0 : i32
    %jit3A_55 = arith.constant 2047 : i32
    %max3A_56 = vector.broadcast %jit3A_54 : i32 to vector<16xi32>
    %max3A_57 = arith.maxsi %max3A_56, %get3A_53 : vector<16xi32>
    %min3A_58 = vector.broadcast %jit3A_55 : i32 to vector<16xi32>
    %min3A_59 = arith.minsi %min3A_58, %max3A_57 : vector<16xi32>
    %gt3A_60 = arith.constant 0 : i32
    %gt3A_61 = vector.broadcast %gt3A_60 : i32 to vector<16xi32>
    %gt3A_62 = arith.cmpi sgt, %get3A_53, %gt3A_61 : vector<16xi32>
    %jit3A_63 = arith.constant 1.000000e+00 : f32
    %jit3A_64 = arith.constant 0.000000e+00 : f32
    %broadcast_in_dim3A_65 = vector.broadcast %jit3A_63 : f32 to vector<16xf32>
    %broadcast_in_dim3A_66 = vector.broadcast %jit3A_64 : f32 to vector<16xf32>
    %select_n3A_67 = arith.select %gt3A_62, %broadcast_in_dim3A_65, %broadcast_in_dim3A_66 : vector<16xi1>, vector<16xf32>
    %scan3A = arith.constant 0 : i32
    %scan3A_68 = arith.constant 0 : i32
    %scan3A_69 = arith.constant 32 : i32
    %scan3A_70 = arith.addi %scan3A_68, %scan3A_69 : i32
    %scan3A_71 = arith.constant 1 : i32
    scf.for %scan3A_73 = %scan3A_68 to %scan3A_70 step %scan3A_71  : i32 {
      %broadcast_in_dim3A_74 = vector.broadcast %scan3A_73 : i32 to vector<16xi32>
      %gather3A = tpu.vector_load_idx %arg6[%broadcast_in_dim3A_74, %min3A_8] : memref<32x2048xf32, #tpu.memory_space<vmem>>[vector<16xi32>, vector<16xi32>], vector<16xf32>,
      %mul3A_75 = arith.mulf %gather3A, %select_n3A : vector<16xf32>
      %gather3A_76 = tpu.vector_load_idx %arg6[%broadcast_in_dim3A_74, %min3A_23] : memref<32x2048xf32, #tpu.memory_space<vmem>>[vector<16xi32>, vector<16xi32>], vector<16xf32>,
      %mul3A_77 = arith.mulf %gather3A_76, %select_n3A_31 : vector<16xf32>
      %add3A_78 = arith.addf %mul3A_75, %mul3A_77 : vector<16xf32>
      %gather3A_79 = tpu.vector_load_idx %arg6[%broadcast_in_dim3A_74, %min3A_41] : memref<32x2048xf32, #tpu.memory_space<vmem>>[vector<16xi32>, vector<16xi32>], vector<16xf32>,
      %mul3A_80 = arith.mulf %gather3A_79, %select_n3A_49 : vector<16xf32>
      %add3A_81 = arith.addf %add3A_78, %mul3A_80 : vector<16xf32>
      %gather3A_82 = tpu.vector_load_idx %arg6[%broadcast_in_dim3A_74, %min3A_59] : memref<32x2048xf32, #tpu.memory_space<vmem>>[vector<16xi32>, vector<16xi32>], vector<16xf32>,
      %mul3A_83 = arith.mulf %gather3A_82, %select_n3A_67 : vector<16xf32>
      %add3A_84 = arith.addf %add3A_81, %mul3A_83 : vector<16xf32>
      %swap3A = arith.index_cast %scan3A_73 : i32 to index
      %swap3A_85 = arith.constant 0 : index
      %swap3A_86 = tpu.vector_load %arg7[%swap3A, %swap3A_85] {strides = array<i32>} : memref<32x128xf32, #tpu.memory_space<vmem>>, vector<16xf32>,
      tpu.vector_store %arg7[%swap3A, %swap3A_85], %add3A_84 {strides = array<i32>} : memref<32x128xf32, #tpu.memory_space<vmem>>, vector<16xf32>,
    }
    %scan3A_72 = arith.constant 32 : i32
    "tpu.region"() ({
      %run_scoped3A = tpu.sem_alloc : memref<!tpu.dma_semaphore, #tpu.memory_space<semaphore_mem>>
      %dma_start3A = arith.constant 0 : i32
      %dma_start3A_73 = tpu.memref_slice %arg4[%mul3A_2, %dma_start3A] : memref<1024x128xf32, #tpu.memory_space<hbm>> -> memref<32x128xf32, #tpu.memory_space<hbm>>
      %dma_start3A_74 = arith.constant 0 : i32
      %dma_start3A_75 = tpu.memref_slice %arg4[%mul3A_2, %dma_start3A_74] : memref<1024x128xf32, #tpu.memory_space<hbm>> -> memref<32x128xf32, #tpu.memory_space<hbm>>
      tpu.enqueue_dma source(%arg7 : memref<32x128xf32, #tpu.memory_space<vmem>>) target(%dma_start3A_75 : memref<32x128xf32, #tpu.memory_space<hbm>>) target_semaphore(%run_scoped3A : memref<!tpu.dma_semaphore, #tpu.memory_space<semaphore_mem>>)
      %dma_wait3A = arith.constant 0 : i32
      %dma_wait3A_76 = tpu.memref_slice %arg4[%mul3A_2, %dma_wait3A] : memref<1024x128xf32, #tpu.memory_space<hbm>> -> memref<32x128xf32, #tpu.memory_space<hbm>>
      %dma_wait3A_77 = arith.constant 0 : i32
      %dma_wait3A_78 = tpu.memref_slice %arg4[%mul3A_2, %dma_wait3A_77] : memref<1024x128xf32, #tpu.memory_space<hbm>> -> memref<32x128xf32, #tpu.memory_space<hbm>>
      tpu.wait_dma2 semaphore(%run_scoped3A : memref<!tpu.dma_semaphore, #tpu.memory_space<semaphore_mem>>) src(%arg7 : memref<32x128xf32, #tpu.memory_space<vmem>>) dst(%dma_wait3A_78 : memref<32x128xf32, #tpu.memory_space<hbm>>)
      tpu.yield
    }) : () -> ()
    return
  }
}

module attributes {stable_mosaic.version = 14 : i64} {
  func.func @_tc_loss_body(%arg0: memref<1024x128xf32, #tpu.memory_space<vmem>>, %arg1: memref<1024x1xi32, #tpu.memory_space<vmem>>, %arg2: memref<1024x1xi32, #tpu.memory_space<vmem>>, %arg3: memref<1x128xf32, #tpu.memory_space<vmem>>, %arg4: memref<1024x1xi32, #tpu.memory_space<vmem>>, %arg5: memref<1x1xf32, #tpu.memory_space<vmem>>) attributes {dimension_semantics = [], scalar_prefetch = 0 : i64, scratch_operands = 0 : i64, tpu.core_type = #tpu.core_type<tc>} {
    %iota3A = tpu.iota {dimensions = array<i32: 1>} : vector<1024x128xi32>
    %lt3A = arith.constant 16 : i32
    %lt3A_0 = vector.broadcast %lt3A : i32 to vector<1024x128xi32>
    %lt3A_1 = arith.cmpi slt, %iota3A, %lt3A_0 : vector<1024x128xi32>
    %get3A = arith.constant 0 : index
    %get3A_2 = arith.constant 0 : index
    %get3A_3 = vector.load %arg1[%get3A, %get3A_2] : memref<1024x1xi32, #tpu.memory_space<vmem>>, vector<1024x1xi32>
    %ge3A = arith.constant 0 : i32
    %ge3A_4 = vector.broadcast %ge3A : i32 to vector<1024x1xi32>
    %ge3A_5 = arith.cmpi sge, %get3A_3, %ge3A_4 : vector<1024x1xi32>
    %convert_element_type3A = arith.extui %ge3A_5 : vector<1024x1xi1> to vector<1024x1xi32>
    %convert_element_type3A_6 = arith.sitofp %convert_element_type3A : vector<1024x1xi32> to vector<1024x1xf32>
    %get3A_7 = arith.constant 0 : index
    %get3A_8 = arith.constant 0 : index
    %get3A_9 = vector.load %arg0[%get3A_7, %get3A_8] : memref<1024x128xf32, #tpu.memory_space<vmem>>, vector<1024x128xf32>
    %mul3A = vector.broadcast %convert_element_type3A_6 : vector<1024x1xf32> to vector<1024x128xf32>
    %mul3A_10 = arith.mulf %get3A_9, %mul3A : vector<1024x128xf32>
    %get3A_11 = arith.constant 0 : index
    %get3A_12 = arith.constant 0 : index
    %get3A_13 = vector.load %arg3[%get3A_11, %get3A_12] : memref<1x128xf32, #tpu.memory_space<vmem>>, vector<1x128xf32>
    %div3A = vector.broadcast %get3A_13 : vector<1x128xf32> to vector<1024x128xf32>
    %div3A_14 = arith.divf %mul3A_10, %div3A : vector<1024x128xf32>
    %jit3A = arith.constant 0xFF800000 : f32
    %broadcast_in_dim3A = vector.broadcast %jit3A : f32 to vector<1024x128xf32>
    %select_n3A = arith.select %lt3A_1, %div3A_14, %broadcast_in_dim3A : vector<1024x128xi1>, vector<1024x128xf32>
    %reduce_max3A = arith.constant dense<0xFF800000> : vector<1024xf32>
    %reduce_max3A_15 = vector.multi_reduction <maximumf>, %select_n3A, %reduce_max3A [1] : vector<1024x128xf32> to vector<1024xf32>
    %broadcast_in_dim3A_16 = vector.shape_cast %reduce_max3A_15 : vector<1024xf32> to vector<1024x1xf32>
    %eq3A = vector.broadcast %broadcast_in_dim3A_16 : vector<1024x1xf32> to vector<1024x128xf32>
    %eq3A_17 = arith.cmpf oeq, %select_n3A, %eq3A : vector<1024x128xf32>
    %jit3A_18 = arith.constant 1073741824 : i32
    %broadcast_in_dim3A_19 = vector.broadcast %jit3A_18 : i32 to vector<1024x128xi32>
    %select_n3A_20 = arith.select %eq3A_17, %iota3A, %broadcast_in_dim3A_19 : vector<1024x128xi1>, vector<1024x128xi32>
    %reduce_min3A = arith.constant dense<2147483647> : vector<1024xi32>
    %reduce_min3A_21 = vector.multi_reduction <minsi>, %select_n3A_20, %reduce_min3A [1] : vector<1024x128xi32> to vector<1024xi32>
    %broadcast_in_dim3A_22 = vector.shape_cast %reduce_min3A_21 : vector<1024xi32> to vector<1024x1xi32>
    %swap3A = arith.constant 0 : index
    %swap3A_23 = arith.constant 0 : index
    %swap3A_24 = vector.load %arg4[%swap3A, %swap3A_23] : memref<1024x1xi32, #tpu.memory_space<vmem>>, vector<1024x1xi32>
    tpu.vector_store %arg4[%swap3A, %swap3A_23], %broadcast_in_dim3A_22 {strides = array<i32>} : memref<1024x1xi32, #tpu.memory_space<vmem>>, vector<1024x1xi32>,
    %sub3A = vector.broadcast %broadcast_in_dim3A_16 : vector<1024x1xf32> to vector<1024x128xf32>
    %sub3A_25 = arith.subf %select_n3A, %sub3A : vector<1024x128xf32>
    %exp3A = math.exp %sub3A_25 : vector<1024x128xf32>
    %jit3A_26 = arith.constant 0.000000e+00 : f32
    %broadcast_in_dim3A_27 = vector.broadcast %jit3A_26 : f32 to vector<1024x128xf32>
    %select_n3A_28 = arith.select %lt3A_1, %exp3A, %broadcast_in_dim3A_27 : vector<1024x128xi1>, vector<1024x128xf32>
    %reduce_sum3A = arith.constant dense<0.000000e+00> : vector<1024xf32>
    %reduce_sum3A_29 = vector.multi_reduction <add>, %select_n3A_28, %reduce_sum3A [1] : vector<1024x128xf32> to vector<1024xf32>
    %broadcast_in_dim3A_30 = vector.shape_cast %reduce_sum3A_29 : vector<1024xf32> to vector<1024x1xf32>
    %log3A = math.log %broadcast_in_dim3A_30 : vector<1024x1xf32>
    %sub3A_31 = vector.broadcast %log3A : vector<1024x1xf32> to vector<1024x128xf32>
    %sub3A_32 = arith.subf %sub3A_25, %sub3A_31 : vector<1024x128xf32>
    %get3A_33 = arith.constant 0 : index
    %get3A_34 = arith.constant 0 : index
    %get3A_35 = vector.load %arg2[%get3A_33, %get3A_34] : memref<1024x1xi32, #tpu.memory_space<vmem>>, vector<1024x1xi32>
    %eq3A_36 = vector.broadcast %get3A_35 : vector<1024x1xi32> to vector<1024x128xi32>
    %eq3A_37 = arith.cmpi eq, %iota3A, %eq3A_36 : vector<1024x128xi32>
    %jit3A_38 = arith.constant 0.000000e+00 : f32
    %broadcast_in_dim3A_39 = vector.broadcast %jit3A_38 : f32 to vector<1024x128xf32>
    %select_n3A_40 = arith.select %eq3A_37, %sub3A_32, %broadcast_in_dim3A_39 : vector<1024x128xi1>, vector<1024x128xf32>
    %reduce_sum3A_41 = arith.constant dense<0.000000e+00> : vector<1024xf32>
    %reduce_sum3A_42 = vector.multi_reduction <add>, %select_n3A_40, %reduce_sum3A_41 [1] : vector<1024x128xf32> to vector<1024xf32>
    %broadcast_in_dim3A_43 = vector.shape_cast %reduce_sum3A_42 : vector<1024xf32> to vector<1024x1xf32>
    %reduce_sum3A_44 = arith.constant dense<0.000000e+00> : vector<1xf32>
    %reduce_sum3A_45 = vector.multi_reduction <add>, %broadcast_in_dim3A_43, %reduce_sum3A_44 [0] : vector<1024x1xf32> to vector<1xf32>
    %broadcast_in_dim3A_46 = vector.shape_cast %reduce_sum3A_45 : vector<1xf32> to vector<1x1xf32>
    %neg3A = arith.constant 0.000000e+00 : f32
    %neg3A_47 = vector.broadcast %neg3A : f32 to vector<1x1xf32>
    %neg3A_48 = arith.subf %neg3A_47, %broadcast_in_dim3A_46 : vector<1x1xf32>
    %div3A_49 = arith.constant 1.024000e+03 : f32
    %div3A_50 = vector.broadcast %div3A_49 : f32 to vector<1x1xf32>
    %div3A_51 = arith.divf %neg3A_48, %div3A_50 : vector<1x1xf32>
    %swap3A_52 = arith.constant 0 : index
    %swap3A_53 = arith.constant 0 : index
    %swap3A_54 = vector.load %arg5[%swap3A_52, %swap3A_53] : memref<1x1xf32, #tpu.memory_space<vmem>>, vector<1x1xf32>
    tpu.vector_store %arg5[%swap3A_52, %swap3A_53], %div3A_51 {strides = array<i32>} : memref<1x1xf32, #tpu.memory_space<vmem>>, vector<1x1xf32>,
    return
  }
}

</mosaic_0001>

<sc_bundles>
// kernel: kernel.4.cloned.1.call-start
scs
__scs_entry_jumppad:
0x0: {  	(pc) =	sbr.rel $0x88, $3  }
0x1: {  	(tag) =	ssettag $0x0;
	lr =	simm.s32 $0x1  }
0x2: {  	[smem:$0x3F9C] =	sst lr;
	_ =	strace $0xD0000000  }
0x3: {  	_ = 	snop  }
0x4: {  	_ = 	snop  }
0x5: {  	_ = 	snop  }
0x6: {  	_ = 	snop  }
0x7: {  	_ = 	snop  }
__scs_overlays_trampoline_lowered:
0x8: {  	[smem:$0x3FAB] =	sst s0  }
0x9: {  	[smem:$0x3FAC] =	sst s1  }
0xa: {  	[smem:$0x3FAD] =	sst s2  }
0xb: {  	[smem:$0x3FAE] =	sst s3  }
0xc: {  	[smem:$0x3FAF] =	sst s4  }
0xd: {  	[smem:$0x3FB0] =	sst s5  }
0xe: {  	[smem:$0x3FB1] =	sst s6  }
0xf: {  	[smem:$0x3FB2] =	sst s7  }
0x10: {  	[smem:$0x3FB3] =	sst s8  }
0x11: {  	[smem:$0x3FB4] =	sst s9;
	s0 =	simm.s32 @!p0 $0x0  }
0x12: {  	s1 =	sld [smem:$0x3F9A];
	s0 =	simm.s32 @p0 $0x1  }
0x13: {  	[smem:$0x3FB5] =	sst s0;
	s0 =	simm.s32 @!p1 $0x0  }
0x14: {  	s2 =	sld [smem:$0x3F99];
	s0 =	simm.s32 @p1 $0x1  }
0x15: {  	[smem:$0x3FB6] =	sst s0;
	s0 =	simm.s32 @!p2 $0x0  }
0x16: {  	s3 =	sld [smem:$0x3FDB];
	s0 =	simm.s32 @p2 $0x1  }
0x17: {  	s4 =	simm.s32 $0x1BF5;
	[smem:$0x3FB8] =	sst s0  }
0x18: {  	s0 =	sld [smem:$0x3F9B];
	_ =	swait.ge [sflag:s4], $0x0  }
0x19: {  	s7 =	sld [smem:$0x3F9C]  }
0x1a: {  	s8 =	sadd.s32 $0xFFFFE003, lr  }
0x1b: {  	s9 =	sadd.s32 $0xFFFFFEF7, lr;
	s5 =	simm.s32 $0xFFFFFFFF;
	p2 =	slt.u32 s8, $0xFFFFF086  }
0x1c: {  	p1 =	slt.u32 s9, $0xF7A;
	s5 =	simm.s32 @!p2 $0x0  }
0x1d: {  	s5 =	simm.s32 @p1 $0x1;
	p0 =	seq.s32 s7, s2  }
0x1e: {  	s7 =	smul.u32 @!p0 $0xF7A, s2;
	p2 =	seq.s32 @!p0 s5, $0x0  }
0x1f: {  	s9 =	smul.u32 $0xF7A, s1;
	s8 =	simm.s32 @!p0 $0x1BF5;
	p2 =	por !p2, p0  }
0x20: {  	[sflag:s8] =	ssyncset.s32 @!p0 $0xFFFFF086;
	s6 =	sadd.s32 @!p0 s3, s7;
	s7 =	simm.s32 @!p0 $0x108  }
0x21: {  	s3 =	sadd.s32 s3, s9;
	s6 =	sadd.s32 @!p0 $0x88, s6;
	s7 =	simm.s32 @p2 $0x1082  }
0x22: {  	[simem:s7], [sflag:s8] =	dma.local @!p0 [hbm:s6], $0xF7A  }
0x23: {  	s9 =	sor.u32 $0xD0000000, s2;
	s6 =	simm.s32 $0x108;
	_ =	swait.ge @!p0 [sflag:s8], $0x0  }
0x24: {  	s3 =	sadd.s32 $0x88, s3;
	s6 =	simm.s32 @!p1 $0x1082;
	[sflag:s4] =	ssyncset.s32 $0xFFFFF086  }
0x25: {  	[simem:s6], [sflag:s4] =	dma.local [hbm:s3], $0xF7A  }
0x26: {  	[smem:$0x3F9C] =	sst s1;
	(tag) =	ssettag s2;
	_ =	strace s9  }
0x27: {  	s1 =	sld [smem:$0x3FAC]  }
0x28: {  	s2 =	sld [smem:$0x3FAD]  }
0x29: {  	s4 =	sld [smem:$0x3FAF]  }
0x2a: {  	p0 =	seq.s32 s5, $0x0;
	s5 =	sld [smem:$0x3FB0]  }
0x2b: {  	s6 =	sld [smem:$0x3FB1]  }
0x2c: {  	s7 =	sld [smem:$0x3FB2]  }
0x2d: {  	s3 =	simm.s32 $0x108;
	s8 =	sld [smem:$0x3FB3]  }
0x2e: {  	s3 =	simm.s32 @!p0 $0x1082;
	s9 =	sld [smem:$0x3FB4]  }
0x2f: {  	lr =	sadd.s32 s0, s3;
	s0 =	sld [smem:$0x3FAB]  }
0x30: {  	s3 =	sld [smem:$0x3FAE]  }
0x31: {  	[smem:$0x3FB7] =	sst s10  }
0x32: {  	s10 =	sld [smem:$0x3FB5];
	_ =	sdelay $0x3  }
0x33: {  	p0 =	seq.s32 s10, $0x1;
	s10 =	sld [smem:$0x3FB7];
	_ =	sdelay $0x3  }
0x34: {  	[smem:$0x3FB7] =	sst s10  }
0x35: {  	s10 =	sld [smem:$0x3FB6];
	_ =	sdelay $0x3  }
0x36: {  	p1 =	seq.s32 s10, $0x1;
	s10 =	sld [smem:$0x3FB7];
	_ =	sdelay $0x3  }
0x37: {  	[smem:$0x3FB7] =	sst s10  }
0x38: {  	s10 =	sld [smem:$0x3FB8]  }
0x39: {  	_ = 	snop;
	(pc) =	sbr.ind lr, $3  }
0x3a: {  	_ = 	snop  }
0x3b: {  	_ = 	snop  }
0x3c: {  	p2 =	seq.s32 s10, $0x1;
	s10 =	sld [smem:$0x3FB7]  }
0x3d: {  	_ =	shalt  }
0x3e: {  	_ =	shalt  }
0x3f: {  	_ =	shalt  }
0x40: {  	_ =	shalt  }
0x41: {  	_ =	shalt  }
0x42: {  	_ =	shalt  }
0x43: {  	_ =	shalt  }
0x44: {  	_ =	shalt  }
0x45: {  	_ =	shalt  }
0x46: {  	_ =	shalt  }
0x47: {  	_ =	shalt  }
0x48: {  	_ =	shalt  }
0x49: {  	_ =	shalt  }
0x4a: {  	_ =	shalt  }
0x4b: {  	_ =	shalt  }
0x4c: {  	_ =	shalt  }
0x4d: {  	_ =	shalt  }
0x4e: {  	_ =	shalt  }
0x4f: {  	_ =	shalt  }
0x50: {  	_ =	shalt  }
0x51: {  	_ =	shalt  }
0x52: {  	_ =	shalt  }
0x53: {  	_ =	shalt  }
0x54: {  	_ =	shalt  }
0x55: {  	_ =	shalt  }
0x56: {  	_ =	shalt  }
0x57: {  	_ =	shalt  }
0x58: {  	_ =	shalt  }
0x59: {  	_ =	shalt  }
0x5a: {  	_ =	shalt  }
0x5b: {  	_ =	shalt  }
0x5c: {  	_ =	shalt  }
0x5d: {  	_ =	shalt  }
0x5e: {  	_ =	shalt  }
0x5f: {  	_ =	shalt  }
0x60: {  	_ =	shalt  }
0x61: {  	_ =	shalt  }
0x62: {  	_ =	shalt  }
0x63: {  	_ =	shalt  }
0x64: {  	_ =	shalt  }
0x65: {  	_ =	shalt  }
0x66: {  	_ =	shalt  }
0x67: {  	_ =	shalt  }
0x68: {  	_ =	shalt  }
0x69: {  	_ =	shalt  }
0x6a: {  	_ =	shalt  }
0x6b: {  	_ =	shalt  }
0x6c: {  	_ =	shalt  }
0x6d: {  	_ =	shalt  }
0x6e: {  	_ =	shalt  }
0x6f: {  	_ =	shalt  }
0x70: {  	_ =	shalt  }
0x71: {  	_ =	shalt  }
0x72: {  	_ =	shalt  }
0x73: {  	_ =	shalt  }
0x74: {  	_ =	shalt  }
0x75: {  	_ =	shalt  }
0x76: {  	_ =	shalt  }
0x77: {  	_ =	shalt  }
0x78: {  	_ =	shalt  }
0x79: {  	_ =	shalt  }
0x7a: {  	_ =	shalt  }
0x7b: {  	_ =	shalt  }
0x7c: {  	_ =	shalt  }
0x7d: {  	_ =	shalt  }
0x7e: {  	_ =	shalt  }
0x7f: {  	_ =	shalt  }
0x80: {  	_ =	shalt  }
0x81: {  	_ =	shalt  }
0x82: {  	_ =	shalt  }
0x83: {  	_ =	shalt  }
0x84: {  	_ =	shalt  }
0x85: {  	_ =	shalt  }
0x86: {  	_ =	shalt  }
0x87: {  	_ =	shalt  }
.Lfunc_end0:
.L_simem_size_0:
called_computation_lowered:
.L_overlay_start_0:
0x88: {  	s2 =	sld [smem:$0x3FD9]  }
0x89: {  	s3 =	sld [smem:$0x3FFE];
	_ =	sdelay $0x1  }
0x8a: {  	s1 =	srdreg.scid  }
0x8b: {  	s0 =	sand.u32 $0x1, s1  }
0x8c: {  	s14 =	sshll.u32 s0, $0xA;
	s2 =	sadd.s32 s3, s2  }
0x8d: {  	s2 =	sadd.s32 s2, s14  }
0x8e: {  	[smem:$0x3FC3] =	sst s2  }
0x8f: {  	_ = 	snop  }
0x90: {  	s2 =	sld [smem:$0x3FD0];
	_ =	sdelay $0x2  }
0x91: {  	s15 =	simm.s32 $0xA;
	s4 =	simm.s32 $0x10  }
0x92: {  	[smem:s4], [sflag:s15] =	dma.local [hbm:s2], $0x1  }
0x93: {  	_ =	swait.eq [sflag:s15], $0x1  }
0x94: {  	[sflag:s15] =	ssyncset.done $0x0  }
0x95: {  	[sflag:s15] =	ssyncadd.s32 $0xFFFFFFFF  }
0x96: {  	s16 =	sld [smem:$0x11];
	(tm) =	ssettm $0x1  }
0x97: {  	s17 =	sld [smem:$0x3FFB];
	_ =	sdelay $0x3  }
0x98: {  	_ =	strace s17  }
0x99: {  	s3 =	sld [smem:$0x3FFC];
	_ =	sdelay $0x3  }
0x9a: {  	_ =	strace s3  }
0x9b: {  	s3 =	sld [smem:$0x3FFD];
	_ =	sdelay $0x3  }
0x9c: {  	_ =	strace s3  }
0x9d: {  	_ =	strace $0x8FFFFFFF  }
0x9e: {  	s18 =	sld [smem:$0x3FDB];
	_ =	sdelay $0x1  }
0x9f: {  	s19 =	simm.s32 $_scs_section_size  }
0xa0: {  	s5 =	simm.s32 $_size__tile_overlayer_lowered;
	s6 =	simm.s32 $_tile_overlayer_lowered  }
0xa1: {  	s22 =	simm.s32 $0x1BFF;
	s21 =	sshll.u32 s6, $0x1;
	s3 =	sadd.s32 s19, s18  }
0xa2: {  	s7 =	simm.s32 $0x0;
	s20 =	sshll.u32 s5, $0x1;
	s5 =	sadd.s32 s21, s3  }
0xa3: {  	[timem:s7], [sflag:s22] =	dma.local [hbm:s5], s20  }
0xa4: {  	_ =	swait.ge [sflag:s22], s20  }
0xa5: {  	s4 =	ssub.s32 $0x0, s20;
	[sflag:s22] =	ssyncset.done $0x0  }
0xa6: {  	[sflag:s22] =	ssyncadd.s32 s4;
	_ =	sdelay $0x1  }
0xa7: {  	s23 =	simm.s32 $0x1B8B  }
0xa8: {  	_ =	swait.ge [sflag:s23], $0x1  }
0xa9: {  	[sflag:s23] =	ssyncset.done $0x0  }
0xaa: {  	s25 =	simm.s32 $0x1B8E;
	s24 =	sld [smem:$0x3FFE];
	[sflag:s23] =	ssyncadd.s32 $0xFFFFFFFF  }
0xab: {  	s26 =	simm.s32 $execute0_lowered;
	[smem:$0x3FD2] =	sst s25  }
0xac: {  	s5 =	sshll.u32 s26, $0x1;
	_ =	strace $0x80000046;
	[dreg:$0x1] =	wrdreg $0xFFFFFFFF  }
0xad: {  	s28 =	simm.s32 $_size_execute0_lowered;
	s3 =	sadd.s32 s3, s5;
	[dreg:$0x0] =	wrdreg $0x0  }
0xae: {  	s5 =	sshll.u32 s28, $0x1;
	[dreg:$0x2] =	wrdreg s3  }
0xaf: {  	[dreg:$0x3] =	wrdreg s5  }
0xb0: {  	[dreg:$0x4] =	wrdreg $0xC0  }
0xb1: {  	_ =	task [dreg:s7], $0x5FFFF  }
0xb2: {  	[dreg:$0x1] =	wrdreg $0xFFFFFFFF  }
0xb3: {  	[dreg:$0x0] =	wrdreg $0x60  }
0xb4: {  	[dreg:$0x2] =	wrdreg s24  }
0xb5: {  	[dreg:$0x3] =	wrdreg s16  }
0xb6: {  	[dreg:$0x4] =	wrdreg $0x9  }
0xb7: {  	_ =	task.clear_ibuf [dreg:s7], $0x5FFFF;
	_ =	strace $0x90000046  }
0xb8: {  	s29 =	simm.s32 $0x9;
	_ =	strace $0x80000048  }
0xb9: {  	_ =	swait.ge [sflag:s29], $0x1  }
0xba: {  	[sflag:s29] =	ssyncadd.s32 $0xFFFFFFFF  }
0xbb: {  	_ =	strace $0x90000048  }
0xbc: {  	_ =	sfence  }
0xbd: {  	s30 =	sld [smem:$0x0];
	_ =	sdelay $0x2  }
0xbe: {  	s31 =	sshll.u32 s1, $0xD;
	s1 =	sshrl.u32 s1, $0x2  }
0xbf: {  	s3 =	sand.u32 $0x4000, s31;
	s1 =	sadd.s32 s1, s30  }
0xc0: {  	s0 =	sor.u32 s3, s0;
	s1 =	sshll.u32 s1, $0x11  }
0xc1: {  	s0 =	sor.u32 s1, s0  }
0xc2: {  	s0 =	sadd.s32 $0x8F2B, s0  }
0xc3: {  	[sflag:s0] =	ssyncadd.remote.s32 $0x1  }
0xc4: {  	_ =	sfence.sel $0xFFFF  }
0xc5: {  	[dreg:$0x0] =	wrdreg $0xFFFFFFFF;
	(pc) =	sbr.abs _section_cstart, $3  }
0xc6: {  	[dreg:$0x1] =	wrdreg $0xFFFFFFFF  }
0xc7: {  	_ =	task.clear_ibuf [dreg:s7], $0x2FFFF;
	_ =	strace $0x9FFFFFFF  }
0xc8: {  	(tm) =	ssettm $0x7FFFFFFF  }
0xc9: {  	_ =	shalt  }
tec
execute0_lowered:
.L_overlay_start_1:
0x0: {  	(tag) =	ssettag $0x1  }
0x1: {  	s4 =	rddreg [dreg:$0x0]  }
0x2: {  	s2 =	rddreg [dreg:$0x1];
	s3 =	srdreg.scid  }
0x3: {  	s0 =	rddreg [dreg:$0x2];
	s1 =	stileid.u32  }
0x4: {  	s9 =	simm.s32 $0x10400;
	s10 =	simm.s32 $0x0;
	s5 =	sand.u32 $0x1, s3  }
0x5: {  	s3 =	simm.s32 $0x0;
	s6 =	sshll.u32 s1, $0x6;
	s7 =	sshll.u32 s5, $0x5  }
0x6: {  	[smem:$0x7FF] =	sst s3;
	s5 =	ssub.s32 $0x2, s5;
	s6 =	sor.u32 s7, s6  }
0x7: {  	_ =	strace $0x80000047;
	s7 =	sshll.u32 s6, $0x8;
	s6 =	sshll.u32 s6, $0x4  }
0x8: {  	s8 =	sshrl.u32 s5, $0x1;
	s7 =	sadd.s32 s7, s4;
	s6 =	sadd.s32 s6, s4  }
0x9: {  	s8 =	ssub.s32 s5, s8;
	s4 =	sadd.s32 $0x1000, s7;
	s5 =	sadd.s32 $0x41000, s6  }
0xa: {  	v0 =	vimm.f32 $0.0e+00;
	s6 =	smax.u32 s8, $0x1;
	s7 =	simm.s32 $0x400;
	s8 =	simm.s32 $0x1  }
.LBB2_1:
0xb: {  	[tilespmem:s7], [sflag:$0x1] =	stream.linear.gather [hbm4b:s4+s3], $0x10000, $0x38;
	[tilespmem:$0x11400] =	vst v63  }
0xc: {  	_ =	swait.ge [sflag:s8], $0x10000  }
0xd: {  	[sflag:s8] =	ssyncset.done $0x0  }
0xe: {  	[sflag:s8] =	ssyncadd.s32 $0xFFFF0000  }
0xf: {  	[tilespmem:s3], [sflag:$0x1] =	stream.linear.gather [hbm4b:s2+s3], $0x400, $0x38;
	[tilespmem:$0x11400] =	vst v63  }
0x10: {  	_ =	swait.ge [sflag:s8], $0x400  }
0x11: {  	[sflag:s8] =	ssyncset.done $0x0  }
0x12: {  	[sflag:s8] =	ssyncadd.s32 $0xFFFFFC00  }
0x13: {  	v1 =	vld [tilespmem:$0x0]  }
0x14: {  	v2 =	vld [tilespmem:$0x80]  }
0x15: {  	v3 =	vld [tilespmem:$0x100]  }
0x16: {  	v4 =	vld [tilespmem:$0x180];
	_ =	sdelay $0x2  }
0x17: {  	v7 =	vmov s3  }
0x18: {  	vm1 =	vgt.s32 v1, $0x0;
	vm2 =	vgt.s32 v2, $0x0;
	vm3 =	vgt.s32 v3, $0x0  }
0x19: {  	vm0 =	vgt.s32 v4, $0x0;
	v1 =	vnsel vm1, $0x0, v1;
	v2 =	vnsel vm2, $0x0, v2  }
0x1a: {  	v3 =	vnsel vm3, $0x0, v3;
	v4 =	vnsel vm0, $0x0, v4;
	v1 =	vmin.u32 v1, $0x7FF  }
0x1b: {  	v2 =	vmin.u32 v2, $0x7FF;
	v3 =	vmin.u32 v3, $0x7FF;
	v4 =	vmin.u32 v4, $0x7FF  }
0x1c: {  	v5 =	vshll.u32 v1, $0x3;
	v1 =	vand.u32 $0x7F, v1;
	v6 =	vshll.u32 v2, $0x3  }
0x1d: {  	v2 =	vand.u32 $0x7F, v2;
	v5 =	vand.u32 $0x3C00, v5;
	v6 =	vand.u32 $0x3C00, v6  }
0x1e: {  	v1 =	vor.u32 v5, v1;
	v2 =	vor.u32 v6, v2;
	v5 =	vshll.u32 v7, $0xB  }
0x1f: {  	v6 =	vand.u32 $0x7F, v3;
	v7 =	vshll.u32 v7, $0x7;
	v5 =	vand.u32 $0xC000, v5  }
0x20: {  	v3 =	vshll.u32 v3, $0x3;
	v8 =	vand.u32 $0x380, v7;
	v7 =	vor.u32 v1, v5  }
0x21: {  	v3 =	vand.u32 $0x3C00, v3;
	v9 =	vor.u32 v2, v5;
	v10 =	vor.u32 v8, v7  }
0x22: {  	v3 =	vor.u32 v3, v6;
	v6 =	vshll.u32 v4, $0x3;
	v9 =	vor.u32 v8, v9  }
0x23: {  	v4 =	vand.u32 $0x7F, v4;
	v6 =	vand.u32 $0x3C00, v6;
	v11 =	vor.u32 v3, v5  }
0x24: {  	v7 =	vor.u32 v6, v4;
	v4 =	vor.u32 v8, v11  }
0x25: {  	v5 =	vor.u32 v7, v5  }
0x26: {  	v8 =	vor.u32 v8, v5;
	v10 =	vld.idx.msk [tilespmem:v10+s7+$0x0], $0xffff  }
0x27: {  	v9 =	vld.idx.msk [tilespmem:v9+s7+$0x0], $0xffff;
	_ =	sdelay $0x1  }
0x28: {  	v11 =	vld.idx.msk [tilespmem:v4+s7+$0x0], $0xffff;
	_ =	sdelay $0x1  }
0x29: {  	s11 =	simm.s32 $0x1;
	v6 =	vsel vm2, $0x3F800000, v0;
	v5 =	vsel vm1, $0x3F800000, v0;
	v12 =	vld.idx.msk [tilespmem:v8+s7+$0x0], $0xffff  }
0x2a: {  	v13 =	vmov s11;
	v10 =	vmul.f32 v10, v5;
	v9 =	vmul.f32 v9, v6  }
0x2b: {  	v14 =	vshll.u32 v13, $0xB;
	v4 =	vsel vm3, $0x3F800000, v0  }
0x2c: {  	v13 =	vshll.u32 v13, $0x7;
	v9 =	vadd.f32 v9, v10;
	v10 =	vmul.f32 v11, v4  }
0x2d: {  	v14 =	vand.u32 $0xC000, v14;
	v8 =	vsel vm0, $0x3F800000, v0;
	v11 =	vand.u32 $0x380, v13  }
0x2e: {  	v13 =	vor.u32 v1, v14;
	v9 =	vadd.f32 v10, v9;
	v10 =	vmul.f32 v12, v8  }
0x2f: {  	v15 =	vor.u32 v2, v14;
	v13 =	vor.u32 v11, v13  }
0x30: {  	v12 =	vor.u32 v11, v15;
	v9 =	vadd.f32 v10, v9  }
0x31: {  	v10 =	vor.u32 v3, v14  }
0x32: {  	[tilespmem:s9+$0x0] =	vst v9;
	v9 =	vor.u32 v11, v10  }
0x33: {  	v10 =	vor.u32 v7, v14  }
0x34: {  	v13 =	vld.idx.msk [tilespmem:v13+s7+$0x0], $0xffff;
	v14 =	vor.u32 v11, v10  }
0x35: {  	v12 =	vld.idx.msk [tilespmem:v12+s7+$0x0], $0xffff;
	_ =	sdelay $0x1  }
0x36: {  	v10 =	vld.idx.msk [tilespmem:v9+s7+$0x0], $0xffff;
	_ =	sdelay $0x1  }
0x37: {  	s31 =	simm.s32 $0x2;
	v9 =	vld.idx.msk [tilespmem:v14+s7+$0x0], $0xffff  }
0x38: {  	v15 =	vmov s31;
	v11 =	vmul.f32 v13, v5;
	v12 =	vmul.f32 v12, v6  }
0x39: {  	s12 =	simm.s32 $0x3;
	s11 =	simm.s32 $0x10400;
	v14 =	vshll.u32 v15, $0xB;
	v13 =	vshll.u32 v15, $0x7  }
.LBB2_2:
0x3a: {  	p0 =	sne.s32 s12, $0x1F;
	v14 =	vand.u32 $0xC000, v14;
	v11 =	vadd.f32 v12, v11;
	v10 =	vmul.f32 v10, v4  }
0x3b: {  	v12 =	vand.u32 $0x380, v13;
	v13 =	vor.u32 v1, v14;
	v15 =	vor.u32 v2, v14  }
0x3c: {  	v9 =	vmul.f32 v9, v8;
	v13 =	vor.u32 v12, v13;
	v10 =	vadd.f32 v10, v11  }
0x3d: {  	v11 =	vor.u32 v12, v15  }
0x3e: {  	v15 =	vor.u32 v3, v14;
	v9 =	vadd.f32 v9, v10  }
0x3f: {  	s11 =	sadd.s32 $0x80, s11;
	v10 =	vor.u32 v12, v15  }
0x40: {  	v14 =	vor.u32 v7, v14;
	[tilespmem:s11+$0x0] =	vst v9  }
0x41: {  	v9 =	vor.u32 v12, v14;
	v13 =	vld.idx.msk [tilespmem:v13+s7+$0x0], $0xffff  }
0x42: {  	v12 =	vld.idx.msk [tilespmem:v11+s7+$0x0], $0xffff;
	_ =	sdelay $0x1  }
0x43: {  	v10 =	vld.idx.msk [tilespmem:v10+s7+$0x0], $0xffff  }
.Ltmp0:
0x44: {  	(pc) =	sbr.rel @p0 .LBB2_2-.Ltmp0, $3  }
0x45: {  	v9 =	vld.idx.msk [tilespmem:v9+s7+$0x0], $0xffff;
	_ =	sdelay $0x1  }
0x46: {  	v15 =	vmov s12;
	v11 =	vmul.f32 v13, v5;
	v12 =	vmul.f32 v12, v6  }
0x47: {  	s12 =	sadd.s32 $0x1, s12;
	v14 =	vshll.u32 v15, $0xB;
	v13 =	vshll.u32 v15, $0x7  }
0x48: {  	v14 =	vand.u32 $0xC000, v14;
	v11 =	vadd.f32 v12, v11;
	v10 =	vmul.f32 v10, v4  }
0x49: {  	v63 =	vand.u32 $0x380, v13;
	v1 =	vor.u32 v1, v14;
	v2 =	vor.u32 v2, v14  }
0x4a: {  	v9 =	vmul.f32 v9, v8;
	v1 =	vor.u32 v63, v1;
	v10 =	vadd.f32 v10, v11  }
0x4b: {  	v2 =	vor.u32 v63, v2  }
0x4c: {  	v3 =	vor.u32 v3, v14;
	v9 =	vadd.f32 v9, v10  }
0x4d: {  	s11 =	sadd.s32 $0x80, s11;
	v3 =	vor.u32 v63, v3  }
0x4e: {  	v7 =	vor.u32 v7, v14;
	[tilespmem:s11+$0x0] =	vst v9  }
0x4f: {  	v7 =	vor.u32 v63, v7;
	v1 =	vld.idx.msk [tilespmem:v1+s7+$0x0], $0xffff  }
0x50: {  	v2 =	vld.idx.msk [tilespmem:v2+s7+$0x0], $0xffff;
	_ =	sdelay $0x1  }
0x51: {  	v3 =	vld.idx.msk [tilespmem:v3+s7+$0x0], $0xffff;
	_ =	sdelay $0x1  }
0x52: {  	v7 =	vld.idx.msk [tilespmem:v7+s7+$0x0], $0xffff  }
0x53: {  	v1 =	vmul.f32 v1, v5;
	v2 =	vmul.f32 v2, v6;
	_ =	sdelay $0x1  }
0x54: {  	v1 =	vadd.f32 v2, v1;
	v2 =	vmul.f32 v3, v4;
	_ =	sdelay $0x1  }
0x55: {  	v1 =	vadd.f32 v2, v1;
	v2 =	vmul.f32 v7, v8;
	_ =	sdelay $0x1  }
0x56: {  	s10 =	sadd.s32 $0x1, s10;
	v1 =	vadd.f32 v2, v1  }
0x57: {  	p0 =	sne.s32 s10, s6;
	s11 =	sadd.s32 $0x80, s11  }
.Ltmp1:
0x58: {  	[tilespmem:s11+$0x0] =	vst v1;
	(pc) =	sbr.rel @p0 .LBB2_1-.Ltmp1, $4  }
0x59: {  	[hbm4b:s5+s3] =	stream.linear.scatter [tilespmem:s9], [sflag:$0x1], $0x1000, $0x38;
	[tilespmem:$0x11400] =	vst v63  }
0x5a: {  	_ =	swait.ge [sflag:s8], $0x1000  }
0x5b: {  	[sflag:s8] =	ssyncset.done $0x0  }
0x5c: {  	[sflag:s8] =	ssyncadd.s32 $0xFFFFF000  }
0x5d: {  	_ =	sfence.sel $0x180000  }
0x5e: {  	[bflag:$0x0] =	sbarrier.arrive $0xFFFF  }
0x5f: {  	p0 =	sne.s32 s1, $0x0;
	_ =	strace $0x90000047  }
0x60: {  	s0 =	sadd.s32 @!p0 $0x100000, s0;
	[bflag:$0x2] =	sbarrier.arrive $0xFFFF  }
0x61: {  	[sflag:s0] =	ssyncadd.tile.s32 @!p0 $0x1;
	_ =	shalt  }
.Lfunc_end2:
_tile_overlayer_lowered:
.L_overlay_start_2:
0x62: {  	(tag) =	ssettag $0x2  }
0x63: {  	s0 =	rddreg [dreg:$0x0];
	s2 =	stileid.u32  }
0x64: {  	s1 =	rddreg [dreg:$0x1];
	p0 =	sne.s32 s2, $0x0  }
0x65: {  	s3 =	rddreg [dreg:$0x2];
	[bflag:$0x3] =	sbarrier.arrive $0xFFFF;
	s2 =	simm.s32 @!p0 $0x1C01  }
0x66: {  	[timem:s3], [sflag:s2] =	dma.local @!p0 [hbm:s0], s1  }
0x67: {  	s0 =	simm.s32 @!p0 $0x1  }
0x68: {  	_ =	swait.ge @!p0 [sflag:s0], s1  }
0x69: {  	s1 =	ssub.s32 @!p0 $0x0, s1;
	[sflag:s0] =	ssyncset.done @!p0 $0x0  }
0x6a: {  	[sflag:s0] =	ssyncadd.s32 @!p0 s1  }
0x6b: {  	[bflag:$0x3] =	sbarrier.arrive $0xFFFF  }
0x6c: {  	_ =	shalt  }

</sc_bundles>
